<compile_context>
chip_gen: v7x
topology: tpu7x:2x2x1
jax: 0.10.2.dev20260603
libtpu: 0.0.44.dev20260713+nightly
codegen_flags: <defaults>
</compile_context>

<pallas_src>
import jax
import jax.numpy as jnp
from jax import lax
from jax.experimental import pallas as pl
from jax.experimental.pallas import tpu as pltpu
from jax.experimental.pallas import tpu_sc as plsc

CTX = 50
BATCH = 4096
NINP = 64
LANES = 16
NUM_WORKERS = 32
BPW = BATCH // NUM_WORKERS
CHUNKS = NINP // LANES


def _cbow_body(inp_hbm, table_hbm, out_hbm, idx_v, buf0, buf1, acc, sem0, sem1):
    wid = lax.axis_index("s") * 2 + lax.axis_index("c")
    base = wid * BPW

    pltpu.sync_copy(inp_hbm.at[:, pl.ds(base, BPW)], idx_v)

    zeros = jnp.zeros((LANES,), jnp.float32)

    def zero_body(i, _):
        for j in range(CHUNKS):
            acc[i, pl.ds(j * LANES, LANES)] = zeros
        return 0

    lax.fori_loop(0, BPW, zero_body, 0)

    pltpu.async_copy(table_hbm.at[idx_v.at[0]], buf0, sem0)
    pltpu.async_copy(table_hbm.at[idx_v.at[1]], buf1, sem1)

    def accumulate(buf):
        def row_body(i, _):
            for j in range(CHUNKS):
                sl = pl.ds(j * LANES, LANES)
                plsc.addupdate(acc.at[i, sl], buf[i, sl])
            return 0

        lax.fori_loop(0, BPW, row_body, 0)

    def step(i, _):
        pltpu.make_async_copy(table_hbm.at[idx_v.at[0]], buf0, sem0).wait()
        accumulate(buf0)

        @pl.when(i < (CTX // 2) - 1)
        def _():
            pltpu.async_copy(table_hbm.at[idx_v.at[2 * i + 2]], buf0, sem0)

        pltpu.make_async_copy(table_hbm.at[idx_v.at[1]], buf1, sem1).wait()
        accumulate(buf1)

        @pl.when(i < (CTX // 2) - 1)
        def _():
            pltpu.async_copy(table_hbm.at[idx_v.at[2 * i + 3]], buf1, sem1)

        return 0

    lax.fori_loop(0, CTX // 2, step, 0)

    pltpu.sync_copy(acc, out_hbm.at[pl.ds(base, BPW)])


@jax.jit
def _cbow(inp, table):
    mesh = plsc.VectorSubcoreMesh(core_axis_name="c", subcore_axis_name="s")
    return pl.kernel(
        _cbow_body,
        out_type=jax.ShapeDtypeStruct((BATCH, NINP), jnp.float32),
        mesh=mesh,
        scratch_types=[
            pltpu.VMEM((CTX, BPW), jnp.int32),
            pltpu.VMEM((BPW, NINP), jnp.float32),
            pltpu.VMEM((BPW, NINP), jnp.float32),
            pltpu.VMEM((BPW, NINP), jnp.float32),
            pltpu.SemaphoreType.DMA,
            pltpu.SemaphoreType.DMA,
        ],
        compiler_params=pltpu.CompilerParams(use_tc_tiling_on_sc=False),
    )(inp, table)


def kernel(input, hidden, table):
    del hidden
    return _cbow(input.astype(jnp.int32), table)

# --- scband reference (transcript-rebuilt; emitter-appended) ---
"""Pipeline reference for scband-cbowmodel-68710886802105 (READ-ONLY COPY).

The authoritative reference and input builder live on the scoring server;
editing this copy changes nothing except your own understanding.
"""

import jax, jax.numpy as jnp
import numpy as np

NTOKEN = 1000000
NINP = 64
CTX = 50
BATCH = 4096


def setup_inputs(seed: int = 0) -> dict:
    key = jax.random.key(seed)
    k1, k2 = jax.random.split(key)
    inp = jax.random.randint(k1, (CTX, BATCH), 0, NTOKEN, dtype=jnp.int64 if jax.config.jax_enable_x64 else jnp.int32)
    hidden = jnp.zeros((1,), dtype=jnp.float32)
    # encoder embedding table, initialized uniform(-0.1, 0.1) like init_weights()
    table = jax.random.uniform(k2, (NTOKEN, NINP), minval=-0.1, maxval=0.1, dtype=jnp.float32)
    return {"input": inp, "hidden": hidden, "table": table}


def reference(input, hidden, table):
    # emb = self.encoder(input)  -> gather rows of the embedding table
    emb = jnp.take(table, input, axis=0)  # [CTX, BATCH, NINP]
    # proj_lm=False, so no projection
    # output = torch.sum(emb, dim=0)  -> CBOW bag-of-words sum over context dim
    output = jnp.sum(emb, axis=0)  # [BATCH, NINP]
    # With nce=True and targets=None the decoder/adaptive-softmax branch is
    # unreachable (those submodules are never constructed in __init__), so the
    # effective forward output is hidden_vec.
    return output

if __name__ == "__main__":
    import jax
    _d = setup_inputs()
    print(jax.jit(kernel)(*tuple(_d.values())))

</pallas_src>

<mosaic_0001>
#map = affine_map<(d0, d1) -> (0, 0)>
module attributes {stable_mosaic.version = 14 : i64} {
  func.func @_cbow_body(%arg0: i32, %arg1: i32, %arg2: memref<50x4096xi32, #tpu.memory_space<hbm>>, %arg3: memref<1000000x64xf32, #tpu.memory_space<hbm>>, %arg4: memref<4096x64xf32, #tpu.memory_space<hbm>>, %arg5: memref<50x128xi32, #tpu.memory_space<vmem>>, %arg6: memref<128x64xf32, #tpu.memory_space<vmem>>, %arg7: memref<128x64xf32, #tpu.memory_space<vmem>>, %arg8: memref<128x64xf32, #tpu.memory_space<vmem>>, %arg9: memref<!tpu.dma_semaphore, #tpu.memory_space<semaphore_mem>>, %arg10: memref<!tpu.dma_semaphore, #tpu.memory_space<semaphore_mem>>) attributes {dimension_semantics = [#tpu.dimension_semantics<core_parallel>, #tpu.dimension_semantics<subcore_parallel>], iteration_bounds = array<i64: 2, 16>, scalar_prefetch = 0 : i64, scratch_operands = 6 : i64, tpu.core_type = #tpu.core_type<sc_vector_subcore>, window_params = [{transform_indices = #map}, {transform_indices = #map}, {transform_indices = #map}]} {
    %mul3A = arith.constant 2 : i32
    %mul3A_0 = arith.muli %arg1, %mul3A : i32
    %add3A = arith.addi %mul3A_0, %arg0 : i32
    %mul3A_1 = arith.constant 128 : i32
    %mul3A_2 = arith.muli %add3A, %mul3A_1 : i32
    "tpu.region"() ({
      %run_scoped3A = tpu.sem_alloc : memref<!tpu.dma_semaphore, #tpu.memory_space<semaphore_mem>>
      %dma_start3A_30 = arith.constant 0 : i32
      %dma_start3A_31 = tpu.memref_slice %arg2[%dma_start3A_30, %mul3A_2] : memref<50x4096xi32, #tpu.memory_space<hbm>> -> memref<50x128xi32, #tpu.memory_space<hbm>>
      %dma_start3A_32 = arith.constant 0 : i32
      %dma_start3A_33 = tpu.memref_slice %arg2[%dma_start3A_32, %mul3A_2] : memref<50x4096xi32, #tpu.memory_space<hbm>> -> memref<50x128xi32, #tpu.memory_space<hbm>>
      tpu.enqueue_dma source(%dma_start3A_33 : memref<50x128xi32, #tpu.memory_space<hbm>>) target(%arg5 : memref<50x128xi32, #tpu.memory_space<vmem>>) target_semaphore(%run_scoped3A : memref<!tpu.dma_semaphore, #tpu.memory_space<semaphore_mem>>)
      %dma_wait3A = arith.constant 0 : i32
      %dma_wait3A_34 = tpu.memref_slice %arg2[%dma_wait3A, %mul3A_2] : memref<50x4096xi32, #tpu.memory_space<hbm>> -> memref<50x128xi32, #tpu.memory_space<hbm>>
      %dma_wait3A_35 = arith.constant 0 : i32
      %dma_wait3A_36 = tpu.memref_slice %arg2[%dma_wait3A_35, %mul3A_2] : memref<50x4096xi32, #tpu.memory_space<hbm>> -> memref<50x128xi32, #tpu.memory_space<hbm>>
      tpu.wait_dma2 semaphore(%run_scoped3A : memref<!tpu.dma_semaphore, #tpu.memory_space<semaphore_mem>>) src(%dma_wait3A_36 : memref<50x128xi32, #tpu.memory_space<hbm>>) dst(%arg5 : memref<50x128xi32, #tpu.memory_space<vmem>>)
      tpu.yield
    }) : () -> ()
    %broadcast_in_dim3A = arith.constant 0.000000e+00 : f32
    %broadcast_in_dim3A_3 = vector.broadcast %broadcast_in_dim3A : f32 to vector<16xf32>
    %scan3A = arith.constant 0 : i32
    %scan3A_4 = arith.constant 0 : i32
    %scan3A_5 = arith.constant 128 : i32
    %scan3A_6 = arith.addi %scan3A_4, %scan3A_5 : i32
    %scan3A_7 = arith.constant 1 : i32
    %scan3A_8 = scf.for %scan3A_30 = %scan3A_4 to %scan3A_6 step %scan3A_7 iter_args(%scan3A_31 = %scan3A) -> (i32)  : i32 {
      %swap3A = arith.index_cast %scan3A_30 : i32 to index
      %swap3A_32 = arith.constant 0 : index
      %swap3A_33 = tpu.vector_load %arg8[%swap3A, %swap3A_32] {strides = array<i32>} : memref<128x64xf32, #tpu.memory_space<vmem>>, vector<1x16xf32>,
      %swap3A_34 = vector.shape_cast %swap3A_33 : vector<1x16xf32> to vector<16xf32>
      %swap3A_35 = vector.shape_cast %broadcast_in_dim3A_3 : vector<16xf32> to vector<1x16xf32>
      tpu.vector_store %arg8[%swap3A, %swap3A_32], %swap3A_35 {strides = array<i32>} : memref<128x64xf32, #tpu.memory_space<vmem>>, vector<1x16xf32>,
      %swap3A_36 = arith.index_cast %scan3A_30 : i32 to index
      %swap3A_37 = arith.constant 16 : index
      %swap3A_38 = tpu.vector_load %arg8[%swap3A_36, %swap3A_37] {strides = array<i32>} : memref<128x64xf32, #tpu.memory_space<vmem>>, vector<1x16xf32>,
      %swap3A_39 = vector.shape_cast %swap3A_38 : vector<1x16xf32> to vector<16xf32>
      %swap3A_40 = vector.shape_cast %broadcast_in_dim3A_3 : vector<16xf32> to vector<1x16xf32>
      tpu.vector_store %arg8[%swap3A_36, %swap3A_37], %swap3A_40 {strides = array<i32>} : memref<128x64xf32, #tpu.memory_space<vmem>>, vector<1x16xf32>,
      %swap3A_41 = arith.index_cast %scan3A_30 : i32 to index
      %swap3A_42 = arith.constant 32 : index
      %swap3A_43 = tpu.vector_load %arg8[%swap3A_41, %swap3A_42] {strides = array<i32>} : memref<128x64xf32, #tpu.memory_space<vmem>>, vector<1x16xf32>,
      %swap3A_44 = vector.shape_cast %swap3A_43 : vector<1x16xf32> to vector<16xf32>
      %swap3A_45 = vector.shape_cast %broadcast_in_dim3A_3 : vector<16xf32> to vector<1x16xf32>
      tpu.vector_store %arg8[%swap3A_41, %swap3A_42], %swap3A_45 {strides = array<i32>} : memref<128x64xf32, #tpu.memory_space<vmem>>, vector<1x16xf32>,
      %swap3A_46 = arith.index_cast %scan3A_30 : i32 to index
      %swap3A_47 = arith.constant 48 : index
      %swap3A_48 = tpu.vector_load %arg8[%swap3A_46, %swap3A_47] {strides = array<i32>} : memref<128x64xf32, #tpu.memory_space<vmem>>, vector<1x16xf32>,
      %swap3A_49 = vector.shape_cast %swap3A_48 : vector<1x16xf32> to vector<16xf32>
      %swap3A_50 = vector.shape_cast %broadcast_in_dim3A_3 : vector<16xf32> to vector<1x16xf32>
      tpu.vector_store %arg8[%swap3A_46, %swap3A_47], %swap3A_50 {strides = array<i32>} : memref<128x64xf32, #tpu.memory_space<vmem>>, vector<1x16xf32>,
      %scan3A_51 = arith.constant 0 : i32
      scf.yield %scan3A_51 : i32
    }
    %scan3A_9 = arith.constant 128 : i32
    %dma_start3A = arith.constant 0 : i32
    %dma_start3A_10 = arith.constant 0 : i32
    %dma_start3A_11 = tpu.memref_slice %arg5[%dma_start3A, %dma_start3A_10] : memref<50x128xi32, #tpu.memory_space<vmem>> -> memref<1x128xi32, #tpu.memory_space<vmem>>
    %dma_start3A_12 = tpu.memref_squeeze %dma_start3A_11 : memref<1x128xi32, #tpu.memory_space<vmem>> -> memref<128xi32, #tpu.memory_space<vmem>>
    %dma_start3A_13 = arith.constant 0 : i32
    %dma_start3A_14 = arith.constant 0 : i32
    %dma_start3A_15 = tpu.memref_slice %arg3[%dma_start3A_13, %dma_start3A_14] : memref<1000000x64xf32, #tpu.memory_space<hbm>> -> memref<1000000x64xf32, #tpu.memory_space<hbm>>
    tpu.enqueue_indirect_dma source(%dma_start3A_15 : memref<1000000x64xf32, #tpu.memory_space<hbm>>) target(%arg6 : memref<128x64xf32, #tpu.memory_space<vmem>>) offsets(%dma_start3A_12 : memref<128xi32, #tpu.memory_space<vmem>>) semaphore(%arg9 : memref<!tpu.dma_semaphore, #tpu.memory_space<semaphore_mem>>)
    %dma_start3A_16 = arith.constant 1 : i32
    %dma_start3A_17 = arith.constant 0 : i32
    %dma_start3A_18 = tpu.memref_slice %arg5[%dma_start3A_16, %dma_start3A_17] : memref<50x128xi32, #tpu.memory_space<vmem>> -> memref<1x128xi32, #tpu.memory_space<vmem>>
    %dma_start3A_19 = tpu.memref_squeeze %dma_start3A_18 : memref<1x128xi32, #tpu.memory_space<vmem>> -> memref<128xi32, #tpu.memory_space<vmem>>
    %dma_start3A_20 = arith.constant 0 : i32
    %dma_start3A_21 = arith.constant 0 : i32
    %dma_start3A_22 = tpu.memref_slice %arg3[%dma_start3A_20, %dma_start3A_21] : memref<1000000x64xf32, #tpu.memory_space<hbm>> -> memref<1000000x64xf32, #tpu.memory_space<hbm>>
    tpu.enqueue_indirect_dma source(%dma_start3A_22 : memref<1000000x64xf32, #tpu.memory_space<hbm>>) target(%arg7 : memref<128x64xf32, #tpu.memory_space<vmem>>) offsets(%dma_start3A_19 : memref<128xi32, #tpu.memory_space<vmem>>) semaphore(%arg10 : memref<!tpu.dma_semaphore, #tpu.memory_space<semaphore_mem>>)
    %scan3A_23 = arith.constant 0 : i32
    %scan3A_24 = arith.constant 0 : i32
    %scan3A_25 = arith.constant 25 : i32
    %scan3A_26 = arith.addi %scan3A_24, %scan3A_25 : i32
    %scan3A_27 = arith.constant 1 : i32
    %scan3A_28 = scf.for %scan3A_30 = %scan3A_24 to %scan3A_26 step %scan3A_27 iter_args(%scan3A_31 = %scan3A_23) -> (i32)  : i32 {
      %dma_wait3A = arith.constant 0 : i32
      %dma_wait3A_32 = arith.constant 0 : i32
      %dma_wait3A_33 = tpu.memref_slice %arg5[%dma_wait3A, %dma_wait3A_32] : memref<50x128xi32, #tpu.memory_space<vmem>> -> memref<1x128xi32, #tpu.memory_space<vmem>>
      %dma_wait3A_34 = tpu.memref_squeeze %dma_wait3A_33 : memref<1x128xi32, #tpu.memory_space<vmem>> -> memref<128xi32, #tpu.memory_space<vmem>>
      %dma_wait3A_35 = arith.constant 0 : i32
      %dma_wait3A_36 = arith.constant 0 : i32
      %dma_wait3A_37 = tpu.memref_slice %arg3[%dma_wait3A_35, %dma_wait3A_36] : memref<1000000x64xf32, #tpu.memory_space<hbm>> -> memref<1000000x64xf32, #tpu.memory_space<hbm>>
      tpu.wait_indirect_dma semaphore(%arg9 : memref<!tpu.dma_semaphore, #tpu.memory_space<semaphore_mem>>) src(%dma_wait3A_37 : memref<1000000x64xf32, #tpu.memory_space<hbm>>) dst(%arg6 : memref<128x64xf32, #tpu.memory_space<vmem>>)
      %scan3A_38 = arith.constant 0 : i32
      %scan3A_39 = arith.constant 0 : i32
      %scan3A_40 = arith.constant 128 : i32
      %scan3A_41 = arith.addi %scan3A_39, %scan3A_40 : i32
      %scan3A_42 = arith.constant 1 : i32
      %scan3A_43 = scf.for %scan3A_67 = %scan3A_39 to %scan3A_41 step %scan3A_42 iter_args(%scan3A_68 = %scan3A_38) -> (i32)  : i32 {
        %get3A = arith.index_cast %scan3A_67 : i32 to index
        %get3A_69 = arith.constant 0 : index
        %get3A_70 = tpu.vector_load %arg6[%get3A, %get3A_69] {strides = array<i32>} : memref<128x64xf32, #tpu.memory_space<vmem>>, vector<1x16xf32>,
        %get3A_71 = vector.shape_cast %get3A_70 : vector<1x16xf32> to vector<16xf32>
        %swap3A = arith.index_cast %scan3A_67 : i32 to index
        %swap3A_72 = arith.constant 0 : index
        %swap3A_73 = tpu.vector_load %arg8[%swap3A, %swap3A_72] {strides = array<i32>} : memref<128x64xf32, #tpu.memory_space<vmem>>, vector<1x16xf32>,
        %swap3A_74 = vector.shape_cast %swap3A_73 : vector<1x16xf32> to vector<16xf32>
        %swap3A_75 = vector.shape_cast %get3A_71 : vector<16xf32> to vector<1x16xf32>
        tpu.vector_store %arg8[%swap3A, %swap3A_72], %swap3A_75 {add = true, strides = array<i32>} : memref<128x64xf32, #tpu.memory_space<vmem>>, vector<1x16xf32>,
        %get3A_76 = arith.index_cast %scan3A_67 : i32 to index
        %get3A_77 = arith.constant 16 : index
        %get3A_78 = tpu.vector_load %arg6[%get3A_76, %get3A_77] {strides = array<i32>} : memref<128x64xf32, #tpu.memory_space<vmem>>, vector<1x16xf32>,
        %get3A_79 = vector.shape_cast %get3A_78 : vector<1x16xf32> to vector<16xf32>
        %swap3A_80 = arith.index_cast %scan3A_67 : i32 to index
        %swap3A_81 = arith.constant 16 : index
        %swap3A_82 = tpu.vector_load %arg8[%swap3A_80, %swap3A_81] {strides = array<i32>} : memref<128x64xf32, #tpu.memory_space<vmem>>, vector<1x16xf32>,
        %swap3A_83 = vector.shape_cast %swap3A_82 : vector<1x16xf32> to vector<16xf32>
        %swap3A_84 = vector.shape_cast %get3A_79 : vector<16xf32> to vector<1x16xf32>
        tpu.vector_store %arg8[%swap3A_80, %swap3A_81], %swap3A_84 {add = true, strides = array<i32>} : memref<128x64xf32, #tpu.memory_space<vmem>>, vector<1x16xf32>,
        %get3A_85 = arith.index_cast %scan3A_67 : i32 to index
        %get3A_86 = arith.constant 32 : index
        %get3A_87 = tpu.vector_load %arg6[%get3A_85, %get3A_86] {strides = array<i32>} : memref<128x64xf32, #tpu.memory_space<vmem>>, vector<1x16xf32>,
        %get3A_88 = vector.shape_cast %get3A_87 : vector<1x16xf32> to vector<16xf32>
        %swap3A_89 = arith.index_cast %scan3A_67 : i32 to index
        %swap3A_90 = arith.constant 32 : index
        %swap3A_91 = tpu.vector_load %arg8[%swap3A_89, %swap3A_90] {strides = array<i32>} : memref<128x64xf32, #tpu.memory_space<vmem>>, vector<1x16xf32>,
        %swap3A_92 = vector.shape_cast %swap3A_91 : vector<1x16xf32> to vector<16xf32>
        %swap3A_93 = vector.shape_cast %get3A_88 : vector<16xf32> to vector<1x16xf32>
        tpu.vector_store %arg8[%swap3A_89, %swap3A_90], %swap3A_93 {add = true, strides = array<i32>} : memref<128x64xf32, #tpu.memory_space<vmem>>, vector<1x16xf32>,
        %get3A_94 = arith.index_cast %scan3A_67 : i32 to index
        %get3A_95 = arith.constant 48 : index
        %get3A_96 = tpu.vector_load %arg6[%get3A_94, %get3A_95] {strides = array<i32>} : memref<128x64xf32, #tpu.memory_space<vmem>>, vector<1x16xf32>,
        %get3A_97 = vector.shape_cast %get3A_96 : vector<1x16xf32> to vector<16xf32>
        %swap3A_98 = arith.index_cast %scan3A_67 : i32 to index
        %swap3A_99 = arith.constant 48 : index
        %swap3A_100 = tpu.vector_load %arg8[%swap3A_98, %swap3A_99] {strides = array<i32>} : memref<128x64xf32, #tpu.memory_space<vmem>>, vector<1x16xf32>,
        %swap3A_101 = vector.shape_cast %swap3A_100 : vector<1x16xf32> to vector<16xf32>
        %swap3A_102 = vector.shape_cast %get3A_97 : vector<16xf32> to vector<1x16xf32>
        tpu.vector_store %arg8[%swap3A_98, %swap3A_99], %swap3A_102 {add = true, strides = array<i32>} : memref<128x64xf32, #tpu.memory_space<vmem>>, vector<1x16xf32>,
        %scan3A_103 = arith.constant 0 : i32
        scf.yield %scan3A_103 : i32
      }
      %scan3A_44 = arith.constant 128 : i32
      %lt3A = arith.constant 24 : i32
      %lt3A_45 = arith.cmpi slt, %scan3A_30, %lt3A : i32
      %convert_element_type3A = arith.extui %lt3A_45 : i1 to i32
      %cond3A = arith.constant 0 : i32
      %cond3A_46 = arith.cmpi ne, %convert_element_type3A, %cond3A : i32
      scf.if %cond3A_46 {
        %mul3A_67 = arith.constant 2 : i32
        %mul3A_68 = arith.muli %mul3A_67, %scan3A_30 : i32
        %add3A_69 = arith.constant 2 : i32
        %add3A_70 = arith.addi %mul3A_68, %add3A_69 : i32
        %dma_start3A_71 = arith.constant 0 : i32
        %dma_start3A_72 = tpu.memref_slice %arg5[%add3A_70, %dma_start3A_71] : memref<50x128xi32, #tpu.memory_space<vmem>> -> memref<1x128xi32, #tpu.memory_space<vmem>>
        %dma_start3A_73 = tpu.memref_squeeze %dma_start3A_72 : memref<1x128xi32, #tpu.memory_space<vmem>> -> memref<128xi32, #tpu.memory_space<vmem>>
        %dma_start3A_74 = arith.constant 0 : i32
        %dma_start3A_75 = arith.constant 0 : i32
        %dma_start3A_76 = tpu.memref_slice %arg3[%dma_start3A_74, %dma_start3A_75] : memref<1000000x64xf32, #tpu.memory_space<hbm>> -> memref<1000000x64xf32, #tpu.memory_space<hbm>>
        tpu.enqueue_indirect_dma source(%dma_start3A_76 : memref<1000000x64xf32, #tpu.memory_space<hbm>>) target(%arg6 : memref<128x64xf32, #tpu.memory_space<vmem>>) offsets(%dma_start3A_73 : memref<128xi32, #tpu.memory_space<vmem>>) semaphore(%arg9 : memref<!tpu.dma_semaphore, #tpu.memory_space<semaphore_mem>>)
      } else {
      }
      %dma_wait3A_47 = arith.constant 1 : i32
      %dma_wait3A_48 = arith.constant 0 : i32
      %dma_wait3A_49 = tpu.memref_slice %arg5[%dma_wait3A_47, %dma_wait3A_48] : memref<50x128xi32, #tpu.memory_space<vmem>> -> memref<1x128xi32, #tpu.memory_space<vmem>>
      %dma_wait3A_50 = tpu.memref_squeeze %dma_wait3A_49 : memref<1x128xi32, #tpu.memory_space<vmem>> -> memref<128xi32, #tpu.memory_space<vmem>>
      %dma_wait3A_51 = arith.constant 0 : i32
      %dma_wait3A_52 = arith.constant 0 : i32
      %dma_wait3A_53 = tpu.memref_slice %arg3[%dma_wait3A_51, %dma_wait3A_52] : memref<1000000x64xf32, #tpu.memory_space<hbm>> -> memref<1000000x64xf32, #tpu.memory_space<hbm>>
      tpu.wait_indirect_dma semaphore(%arg10 : memref<!tpu.dma_semaphore, #tpu.memory_space<semaphore_mem>>) src(%dma_wait3A_53 : memref<1000000x64xf32, #tpu.memory_space<hbm>>) dst(%arg7 : memref<128x64xf32, #tpu.memory_space<vmem>>)
      %scan3A_54 = arith.constant 0 : i32
      %scan3A_55 = arith.constant 0 : i32
      %scan3A_56 = arith.constant 128 : i32
      %scan3A_57 = arith.addi %scan3A_55, %scan3A_56 : i32
      %scan3A_58 = arith.constant 1 : i32
      %scan3A_59 = scf.for %scan3A_67 = %scan3A_55 to %scan3A_57 step %scan3A_58 iter_args(%scan3A_68 = %scan3A_54) -> (i32)  : i32 {
        %get3A = arith.index_cast %scan3A_67 : i32 to index
        %get3A_69 = arith.constant 0 : index
        %get3A_70 = tpu.vector_load %arg7[%get3A, %get3A_69] {strides = array<i32>} : memref<128x64xf32, #tpu.memory_space<vmem>>, vector<1x16xf32>,
        %get3A_71 = vector.shape_cast %get3A_70 : vector<1x16xf32> to vector<16xf32>
        %swap3A = arith.index_cast %scan3A_67 : i32 to index
        %swap3A_72 = arith.constant 0 : index
        %swap3A_73 = tpu.vector_load %arg8[%swap3A, %swap3A_72] {strides = array<i32>} : memref<128x64xf32, #tpu.memory_space<vmem>>, vector<1x16xf32>,
        %swap3A_74 = vector.shape_cast %swap3A_73 : vector<1x16xf32> to vector<16xf32>
        %swap3A_75 = vector.shape_cast %get3A_71 : vector<16xf32> to vector<1x16xf32>
        tpu.vector_store %arg8[%swap3A, %swap3A_72], %swap3A_75 {add = true, strides = array<i32>} : memref<128x64xf32, #tpu.memory_space<vmem>>, vector<1x16xf32>,
        %get3A_76 = arith.index_cast %scan3A_67 : i32 to index
        %get3A_77 = arith.constant 16 : index
        %get3A_78 = tpu.vector_load %arg7[%get3A_76, %get3A_77] {strides = array<i32>} : memref<128x64xf32, #tpu.memory_space<vmem>>, vector<1x16xf32>,
        %get3A_79 = vector.shape_cast %get3A_78 : vector<1x16xf32> to vector<16xf32>
        %swap3A_80 = arith.index_cast %scan3A_67 : i32 to index
        %swap3A_81 = arith.constant 16 : index
        %swap3A_82 = tpu.vector_load %arg8[%swap3A_80, %swap3A_81] {strides = array<i32>} : memref<128x64xf32, #tpu.memory_space<vmem>>, vector<1x16xf32>,
        %swap3A_83 = vector.shape_cast %swap3A_82 : vector<1x16xf32> to vector<16xf32>
        %swap3A_84 = vector.shape_cast %get3A_79 : vector<16xf32> to vector<1x16xf32>
        tpu.vector_store %arg8[%swap3A_80, %swap3A_81], %swap3A_84 {add = true, strides = array<i32>} : memref<128x64xf32, #tpu.memory_space<vmem>>, vector<1x16xf32>,
        %get3A_85 = arith.index_cast %scan3A_67 : i32 to index
        %get3A_86 = arith.constant 32 : index
        %get3A_87 = tpu.vector_load %arg7[%get3A_85, %get3A_86] {strides = array<i32>} : memref<128x64xf32, #tpu.memory_space<vmem>>, vector<1x16xf32>,
        %get3A_88 = vector.shape_cast %get3A_87 : vector<1x16xf32> to vector<16xf32>
        %swap3A_89 = arith.index_cast %scan3A_67 : i32 to index
        %swap3A_90 = arith.constant 32 : index
        %swap3A_91 = tpu.vector_load %arg8[%swap3A_89, %swap3A_90] {strides = array<i32>} : memref<128x64xf32, #tpu.memory_space<vmem>>, vector<1x16xf32>,
        %swap3A_92 = vector.shape_cast %swap3A_91 : vector<1x16xf32> to vector<16xf32>
        %swap3A_93 = vector.shape_cast %get3A_88 : vector<16xf32> to vector<1x16xf32>
        tpu.vector_store %arg8[%swap3A_89, %swap3A_90], %swap3A_93 {add = true, strides = array<i32>} : memref<128x64xf32, #tpu.memory_space<vmem>>, vector<1x16xf32>,
        %get3A_94 = arith.index_cast %scan3A_67 : i32 to index
        %get3A_95 = arith.constant 48 : index
        %get3A_96 = tpu.vector_load %arg7[%get3A_94, %get3A_95] {strides = array<i32>} : memref<128x64xf32, #tpu.memory_space<vmem>>, vector<1x16xf32>,
        %get3A_97 = vector.shape_cast %get3A_96 : vector<1x16xf32> to vector<16xf32>
        %swap3A_98 = arith.index_cast %scan3A_67 : i32 to index
        %swap3A_99 = arith.constant 48 : index
        %swap3A_100 = tpu.vector_load %arg8[%swap3A_98, %swap3A_99] {strides = array<i32>} : memref<128x64xf32, #tpu.memory_space<vmem>>, vector<1x16xf32>,
        %swap3A_101 = vector.shape_cast %swap3A_100 : vector<1x16xf32> to vector<16xf32>
        %swap3A_102 = vector.shape_cast %get3A_97 : vector<16xf32> to vector<1x16xf32>
        tpu.vector_store %arg8[%swap3A_98, %swap3A_99], %swap3A_102 {add = true, strides = array<i32>} : memref<128x64xf32, #tpu.memory_space<vmem>>, vector<1x16xf32>,
        %scan3A_103 = arith.constant 0 : i32
        scf.yield %scan3A_103 : i32
      }
      %scan3A_60 = arith.constant 128 : i32
      %lt3A_61 = arith.constant 24 : i32
      %lt3A_62 = arith.cmpi slt, %scan3A_30, %lt3A_61 : i32
      %convert_element_type3A_63 = arith.extui %lt3A_62 : i1 to i32
      %cond3A_64 = arith.constant 0 : i32
      %cond3A_65 = arith.cmpi ne, %convert_element_type3A_63, %cond3A_64 : i32
      scf.if %cond3A_65 {
        %mul3A_67 = arith.constant 2 : i32
        %mul3A_68 = arith.muli %mul3A_67, %scan3A_30 : i32
        %add3A_69 = arith.constant 3 : i32
        %add3A_70 = arith.addi %mul3A_68, %add3A_69 : i32
        %dma_start3A_71 = arith.constant 0 : i32
        %dma_start3A_72 = tpu.memref_slice %arg5[%add3A_70, %dma_start3A_71] : memref<50x128xi32, #tpu.memory_space<vmem>> -> memref<1x128xi32, #tpu.memory_space<vmem>>
        %dma_start3A_73 = tpu.memref_squeeze %dma_start3A_72 : memref<1x128xi32, #tpu.memory_space<vmem>> -> memref<128xi32, #tpu.memory_space<vmem>>
        %dma_start3A_74 = arith.constant 0 : i32
        %dma_start3A_75 = arith.constant 0 : i32
        %dma_start3A_76 = tpu.memref_slice %arg3[%dma_start3A_74, %dma_start3A_75] : memref<1000000x64xf32, #tpu.memory_space<hbm>> -> memref<1000000x64xf32, #tpu.memory_space<hbm>>
        tpu.enqueue_indirect_dma source(%dma_start3A_76 : memref<1000000x64xf32, #tpu.memory_space<hbm>>) target(%arg7 : memref<128x64xf32, #tpu.memory_space<vmem>>) offsets(%dma_start3A_73 : memref<128xi32, #tpu.memory_space<vmem>>) semaphore(%arg10 : memref<!tpu.dma_semaphore, #tpu.memory_space<semaphore_mem>>)
      } else {
      }
      %scan3A_66 = arith.constant 0 : i32
      scf.yield %scan3A_66 : i32
    }
    %scan3A_29 = arith.constant 25 : i32
    "tpu.region"() ({
      %run_scoped3A = tpu.sem_alloc : memref<!tpu.dma_semaphore, #tpu.memory_space<semaphore_mem>>
      %dma_start3A_30 = arith.constant 0 : i32
      %dma_start3A_31 = tpu.memref_slice %arg4[%mul3A_2, %dma_start3A_30] : memref<4096x64xf32, #tpu.memory_space<hbm>> -> memref<128x64xf32, #tpu.memory_space<hbm>>
      %dma_start3A_32 = arith.constant 0 : i32
      %dma_start3A_33 = tpu.memref_slice %arg4[%mul3A_2, %dma_start3A_32] : memref<4096x64xf32, #tpu.memory_space<hbm>> -> memref<128x64xf32, #tpu.memory_space<hbm>>
      tpu.enqueue_dma source(%arg8 : memref<128x64xf32, #tpu.memory_space<vmem>>) target(%dma_start3A_33 : memref<128x64xf32, #tpu.memory_space<hbm>>) target_semaphore(%run_scoped3A : memref<!tpu.dma_semaphore, #tpu.memory_space<semaphore_mem>>)
      %dma_wait3A = arith.constant 0 : i32
      %dma_wait3A_34 = tpu.memref_slice %arg4[%mul3A_2, %dma_wait3A] : memref<4096x64xf32, #tpu.memory_space<hbm>> -> memref<128x64xf32, #tpu.memory_space<hbm>>
      %dma_wait3A_35 = arith.constant 0 : i32
      %dma_wait3A_36 = tpu.memref_slice %arg4[%mul3A_2, %dma_wait3A_35] : memref<4096x64xf32, #tpu.memory_space<hbm>> -> memref<128x64xf32, #tpu.memory_space<hbm>>
      tpu.wait_dma2 semaphore(%run_scoped3A : memref<!tpu.dma_semaphore, #tpu.memory_space<semaphore_mem>>) src(%arg8 : memref<128x64xf32, #tpu.memory_space<vmem>>) dst(%dma_wait3A_36 : memref<128x64xf32, #tpu.memory_space<hbm>>)
      tpu.yield
    }) : () -> ()
    return
  }
}

</mosaic_0001>

<sc_bundles>
// kernel: _cbow.3.cloned.1.call-start
scs
__scs_entry_jumppad:
0x0: {  	(pc) =	sbr.rel $0x88, $3  }
0x1: {  	(tag) =	ssettag $0x0;
	lr =	simm.s32 $0x1  }
0x2: {  	[smem:$0x3F9F] =	sst lr;
	_ =	strace $0xD0000000  }
0x3: {  	_ = 	snop  }
0x4: {  	_ = 	snop  }
0x5: {  	_ = 	snop  }
0x6: {  	_ = 	snop  }
0x7: {  	_ = 	snop  }
__scs_overlays_trampoline_lowered:
0x8: {  	[smem:$0x3FAE] =	sst s0  }
0x9: {  	[smem:$0x3FAF] =	sst s1  }
0xa: {  	[smem:$0x3FB0] =	sst s2  }
0xb: {  	[smem:$0x3FB1] =	sst s3  }
0xc: {  	[smem:$0x3FB2] =	sst s4  }
0xd: {  	[smem:$0x3FB3] =	sst s5  }
0xe: {  	[smem:$0x3FB4] =	sst s6  }
0xf: {  	[smem:$0x3FB5] =	sst s7  }
0x10: {  	[smem:$0x3FB6] =	sst s8  }
0x11: {  	[smem:$0x3FB7] =	sst s9;
	s0 =	simm.s32 @!p0 $0x0  }
0x12: {  	s1 =	sld [smem:$0x3F9D];
	s0 =	simm.s32 @p0 $0x1  }
0x13: {  	[smem:$0x3FB8] =	sst s0;
	s0 =	simm.s32 @!p1 $0x0  }
0x14: {  	s2 =	sld [smem:$0x3F9C];
	s0 =	simm.s32 @p1 $0x1  }
0x15: {  	[smem:$0x3FB9] =	sst s0;
	s0 =	simm.s32 @!p2 $0x0  }
0x16: {  	s3 =	sld [smem:$0x3FDB];
	s0 =	simm.s32 @p2 $0x1  }
0x17: {  	s4 =	simm.s32 $0x1BF5;
	[smem:$0x3FBB] =	sst s0  }
0x18: {  	s0 =	sld [smem:$0x3F9E];
	_ =	swait.ge [sflag:s4], $0x0  }
0x19: {  	s7 =	sld [smem:$0x3F9F]  }
0x1a: {  	s8 =	sadd.s32 $0xFFFFE003, lr  }
0x1b: {  	s9 =	sadd.s32 $0xFFFFFEF7, lr;
	s5 =	simm.s32 $0xFFFFFFFF;
	p2 =	slt.u32 s8, $0xFFFFF086  }
0x1c: {  	p1 =	slt.u32 s9, $0xF7A;
	s5 =	simm.s32 @!p2 $0x0  }
0x1d: {  	s5 =	simm.s32 @p1 $0x1;
	p0 =	seq.s32 s7, s2  }
0x1e: {  	s7 =	smul.u32 @!p0 $0xF7A, s2;
	p2 =	seq.s32 @!p0 s5, $0x0  }
0x1f: {  	s9 =	smul.u32 $0xF7A, s1;
	s8 =	simm.s32 @!p0 $0x1BF5;
	p2 =	por !p2, p0  }
0x20: {  	[sflag:s8] =	ssyncset.s32 @!p0 $0xFFFFF086;
	s6 =	sadd.s32 @!p0 s3, s7;
	s7 =	simm.s32 @!p0 $0x108  }
0x21: {  	s3 =	sadd.s32 s3, s9;
	s6 =	sadd.s32 @!p0 $0x88, s6;
	s7 =	simm.s32 @p2 $0x1082  }
0x22: {  	[simem:s7], [sflag:s8] =	dma.local @!p0 [hbm:s6], $0xF7A  }
0x23: {  	s9 =	sor.u32 $0xD0000000, s2;
	s6 =	simm.s32 $0x108;
	_ =	swait.ge @!p0 [sflag:s8], $0x0  }
0x24: {  	s3 =	sadd.s32 $0x88, s3;
	s6 =	simm.s32 @!p1 $0x1082;
	[sflag:s4] =	ssyncset.s32 $0xFFFFF086  }
0x25: {  	[simem:s6], [sflag:s4] =	dma.local [hbm:s3], $0xF7A  }
0x26: {  	[smem:$0x3F9F] =	sst s1;
	(tag) =	ssettag s2;
	_ =	strace s9  }
0x27: {  	s1 =	sld [smem:$0x3FAF]  }
0x28: {  	s2 =	sld [smem:$0x3FB0]  }
0x29: {  	s4 =	sld [smem:$0x3FB2]  }
0x2a: {  	p0 =	seq.s32 s5, $0x0;
	s5 =	sld [smem:$0x3FB3]  }
0x2b: {  	s6 =	sld [smem:$0x3FB4]  }
0x2c: {  	s7 =	sld [smem:$0x3FB5]  }
0x2d: {  	s3 =	simm.s32 $0x108;
	s8 =	sld [smem:$0x3FB6]  }
0x2e: {  	s3 =	simm.s32 @!p0 $0x1082;
	s9 =	sld [smem:$0x3FB7]  }
0x2f: {  	lr =	sadd.s32 s0, s3;
	s0 =	sld [smem:$0x3FAE]  }
0x30: {  	s3 =	sld [smem:$0x3FB1]  }
0x31: {  	[smem:$0x3FBA] =	sst s10  }
0x32: {  	s10 =	sld [smem:$0x3FB8];
	_ =	sdelay $0x3  }
0x33: {  	p0 =	seq.s32 s10, $0x1;
	s10 =	sld [smem:$0x3FBA];
	_ =	sdelay $0x3  }
0x34: {  	[smem:$0x3FBA] =	sst s10  }
0x35: {  	s10 =	sld [smem:$0x3FB9];
	_ =	sdelay $0x3  }
0x36: {  	p1 =	seq.s32 s10, $0x1;
	s10 =	sld [smem:$0x3FBA];
	_ =	sdelay $0x3  }
0x37: {  	[smem:$0x3FBA] =	sst s10  }
0x38: {  	s10 =	sld [smem:$0x3FBB]  }
0x39: {  	_ = 	snop;
	(pc) =	sbr.ind lr, $3  }
0x3a: {  	_ = 	snop  }
0x3b: {  	_ = 	snop  }
0x3c: {  	p2 =	seq.s32 s10, $0x1;
	s10 =	sld [smem:$0x3FBA]  }
0x3d: {  	_ =	shalt  }
0x3e: {  	_ =	shalt  }
0x3f: {  	_ =	shalt  }
0x40: {  	_ =	shalt  }
0x41: {  	_ =	shalt  }
0x42: {  	_ =	shalt  }
0x43: {  	_ =	shalt  }
0x44: {  	_ =	shalt  }
0x45: {  	_ =	shalt  }
0x46: {  	_ =	shalt  }
0x47: {  	_ =	shalt  }
0x48: {  	_ =	shalt  }
0x49: {  	_ =	shalt  }
0x4a: {  	_ =	shalt  }
0x4b: {  	_ =	shalt  }
0x4c: {  	_ =	shalt  }
0x4d: {  	_ =	shalt  }
0x4e: {  	_ =	shalt  }
0x4f: {  	_ =	shalt  }
0x50: {  	_ =	shalt  }
0x51: {  	_ =	shalt  }
0x52: {  	_ =	shalt  }
0x53: {  	_ =	shalt  }
0x54: {  	_ =	shalt  }
0x55: {  	_ =	shalt  }
0x56: {  	_ =	shalt  }
0x57: {  	_ =	shalt  }
0x58: {  	_ =	shalt  }
0x59: {  	_ =	shalt  }
0x5a: {  	_ =	shalt  }
0x5b: {  	_ =	shalt  }
0x5c: {  	_ =	shalt  }
0x5d: {  	_ =	shalt  }
0x5e: {  	_ =	shalt  }
0x5f: {  	_ =	shalt  }
0x60: {  	_ =	shalt  }
0x61: {  	_ =	shalt  }
0x62: {  	_ =	shalt  }
0x63: {  	_ =	shalt  }
0x64: {  	_ =	shalt  }
0x65: {  	_ =	shalt  }
0x66: {  	_ =	shalt  }
0x67: {  	_ =	shalt  }
0x68: {  	_ =	shalt  }
0x69: {  	_ =	shalt  }
0x6a: {  	_ =	shalt  }
0x6b: {  	_ =	shalt  }
0x6c: {  	_ =	shalt  }
0x6d: {  	_ =	shalt  }
0x6e: {  	_ =	shalt  }
0x6f: {  	_ =	shalt  }
0x70: {  	_ =	shalt  }
0x71: {  	_ =	shalt  }
0x72: {  	_ =	shalt  }
0x73: {  	_ =	shalt  }
0x74: {  	_ =	shalt  }
0x75: {  	_ =	shalt  }
0x76: {  	_ =	shalt  }
0x77: {  	_ =	shalt  }
0x78: {  	_ =	shalt  }
0x79: {  	_ =	shalt  }
0x7a: {  	_ =	shalt  }
0x7b: {  	_ =	shalt  }
0x7c: {  	_ =	shalt  }
0x7d: {  	_ =	shalt  }
0x7e: {  	_ =	shalt  }
0x7f: {  	_ =	shalt  }
0x80: {  	_ =	shalt  }
0x81: {  	_ =	shalt  }
0x82: {  	_ =	shalt  }
0x83: {  	_ =	shalt  }
0x84: {  	_ =	shalt  }
0x85: {  	_ =	shalt  }
0x86: {  	_ =	shalt  }
0x87: {  	_ =	shalt  }
.Lfunc_end0:
.L_simem_size_0:
called_computation_lowered:
.L_overlay_start_0:
0x88: {  	s2 =	sld [smem:$0x3FD9]  }
0x89: {  	s3 =	sld [smem:$0x3FFE];
	_ =	sdelay $0x1  }
0x8a: {  	s1 =	srdreg.scid  }
0x8b: {  	s0 =	sand.u32 $0x1, s1  }
0x8c: {  	s17 =	sshll.u32 s0, $0xA;
	s2 =	sadd.s32 s3, s2  }
0x8d: {  	s2 =	sadd.s32 s2, s17  }
0x8e: {  	[smem:$0x3FC6] =	sst s2  }
0x8f: {  	_ = 	snop  }
0x90: {  	s2 =	sld [smem:$0x3FD0];
	(tm) =	ssettm $0x1  }
0x91: {  	s18 =	sld [smem:$0x3FFB];
	_ =	sdelay $0x3  }
0x92: {  	_ =	strace s18  }
0x93: {  	s3 =	sld [smem:$0x3FFC];
	_ =	sdelay $0x3  }
0x94: {  	_ =	strace s3  }
0x95: {  	s3 =	sld [smem:$0x3FFD];
	_ =	sdelay $0x3  }
0x96: {  	_ =	strace s3  }
0x97: {  	_ =	strace $0x8FFFFFFF  }
0x98: {  	s19 =	sld [smem:$0x3FDB];
	_ =	sdelay $0x1  }
0x99: {  	s4 =	simm.s32 $_scs_section_size  }
0x9a: {  	s5 =	simm.s32 $_size__tile_overlayer_lowered;
	s6 =	simm.s32 $_tile_overlayer_lowered  }
0x9b: {  	s22 =	simm.s32 $0x1BFF;
	s21 =	sshll.u32 s6, $0x1;
	s3 =	sadd.s32 s4, s19  }
0x9c: {  	s7 =	simm.s32 $0x0;
	s20 =	sshll.u32 s5, $0x1;
	s5 =	sadd.s32 s21, s3  }
0x9d: {  	[timem:s7], [sflag:s22] =	dma.local [hbm:s5], s20  }
0x9e: {  	_ =	swait.ge [sflag:s22], s20  }
0x9f: {  	s4 =	ssub.s32 $0x0, s20;
	[sflag:s22] =	ssyncset.done $0x0  }
0xa0: {  	[sflag:s22] =	ssyncadd.s32 s4;
	_ =	sdelay $0x1  }
0xa1: {  	s23 =	simm.s32 $0x1B8B  }
0xa2: {  	_ =	swait.ge [sflag:s23], $0x1  }
0xa3: {  	[sflag:s23] =	ssyncset.done $0x0  }
0xa4: {  	s25 =	simm.s32 $0x1B8E;
	s24 =	sld [smem:$0x3FFE];
	[sflag:s23] =	ssyncadd.s32 $0xFFFFFFFF  }
0xa5: {  	s26 =	simm.s32 $execute0_lowered;
	[smem:$0x3FD2] =	sst s25  }
0xa6: {  	s5 =	sshll.u32 s26, $0x1;
	_ =	strace $0x80000046;
	[dreg:$0x1] =	wrdreg $0xFFFFFFFF  }
0xa7: {  	s28 =	simm.s32 $_size_execute0_lowered;
	s3 =	sadd.s32 s3, s5;
	[dreg:$0x0] =	wrdreg $0x0  }
0xa8: {  	s5 =	sshll.u32 s28, $0x1;
	[dreg:$0x2] =	wrdreg s3  }
0xa9: {  	[dreg:$0x3] =	wrdreg s5  }
0xaa: {  	[dreg:$0x4] =	wrdreg $0xC0  }
0xab: {  	_ =	task [dreg:s7], $0x5FFFF  }
0xac: {  	[dreg:$0x1] =	wrdreg $0xFFFFFFFF  }
0xad: {  	[dreg:$0x0] =	wrdreg $0x60  }
0xae: {  	[dreg:$0x2] =	wrdreg s24  }
0xaf: {  	[dreg:$0x3] =	wrdreg s2  }
0xb0: {  	[dreg:$0x4] =	wrdreg $0x9  }
0xb1: {  	_ =	task.clear_ibuf [dreg:s7], $0x5FFFF;
	_ =	strace $0x90000046  }
0xb2: {  	s29 =	simm.s32 $0x9;
	_ =	strace $0x80000048  }
0xb3: {  	_ =	swait.ge [sflag:s29], $0x1  }
0xb4: {  	[sflag:s29] =	ssyncadd.s32 $0xFFFFFFFF  }
0xb5: {  	_ =	strace $0x90000048  }
0xb6: {  	_ =	sfence  }
0xb7: {  	s30 =	sld [smem:$0x0];
	_ =	sdelay $0x2  }
0xb8: {  	s31 =	sshll.u32 s1, $0xD;
	s1 =	sshrl.u32 s1, $0x2  }
0xb9: {  	s3 =	sand.u32 $0x4000, s31;
	s1 =	sadd.s32 s1, s30  }
0xba: {  	s0 =	sor.u32 s3, s0;
	s1 =	sshll.u32 s1, $0x11  }
0xbb: {  	s0 =	sor.u32 s1, s0  }
0xbc: {  	s0 =	sadd.s32 $0x8F2B, s0  }
0xbd: {  	[sflag:s0] =	ssyncadd.remote.s32 $0x1  }
0xbe: {  	_ =	sfence.sel $0xFFFF  }
0xbf: {  	[dreg:$0x0] =	wrdreg $0xFFFFFFFF;
	(pc) =	sbr.abs _section_cstart, $3  }
0xc0: {  	[dreg:$0x1] =	wrdreg $0xFFFFFFFF  }
0xc1: {  	_ =	task.clear_ibuf [dreg:s7], $0x2FFFF;
	_ =	strace $0x9FFFFFFF  }
0xc2: {  	(tm) =	ssettm $0x7FFFFFFF  }
0xc3: {  	_ =	shalt  }
tec
execute0_lowered:
.L_overlay_start_1:
0x0: {  	(tag) =	ssettag $0x1  }
0x1: {  	s1 =	srdreg.scid;
	s3 =	rddreg [dreg:$0x0]  }
0x2: {  	s0 =	stileid.u32;
	s5 =	rddreg [dreg:$0x1];
	s2 =	simm.s32 $0x0  }
0x3: {  	s9 =	simm.s32 $0x3;
	s10 =	simm.s32 $0x1900;
	s11 =	simm.s32 $0x3900  }
0x4: {  	s12 =	simm.s32 $0x1;
	s13 =	simm.s32 $0x2;
	s14 =	simm.s32 $0x5900  }
0x5: {  	s15 =	simm.s32 $0x0;
	s4 =	sand.u32 $0x1, s1;
	s1 =	rddreg [dreg:$0x2]  }
0x6: {  	s6 =	sshll.u32 s0, $0x8;
	[smem:$0x7FF] =	sst s2;
	s7 =	sshll.u32 s4, $0x7  }
.Ltmp0:
0x7: {  	s4 =	ssub.s32 $0x2, s4;
	s6 =	sor.u32 s7, s6;
	(pc) =	sbr.rel .LBB2_1-.Ltmp0, $4  }
0x8: {  	_ =	strace $0x80000047;
	s8 =	sshrl.u32 s4, $0x1;
	s7 =	sshrl.u32 s6, $0x3  }
0x9: {  	s8 =	ssub.s32 s4, s8;
	s6 =	sshll.u32 s6, $0x3;
	s7 =	sadd.s32 s7, s3  }
0xa: {  	s3 =	sadd.s32 $0xF42A00, s3;
	s5 =	sadd.s32 s5, s6;
	s6 =	smax.u32 s8, $0x1  }
0xb: {  	v0 =	vimm.f32 $0.0e+00;
	s8 =	simm.s32 $0x1000;
	s4 =	sadd.s32 $0x600, s7;
	s7 =	simm.s32 $0x80  }
.LBB2_10:
0xc: {  	s15 =	sadd.s32 $0x1, s15  }
0xd: {  	p0 =	sne.s32 s15, s6  }
.Ltmp1:
0xe: {  	_ = 	snop;
	(pc) =	sbr.rel @!p0 .LBB2_11-.Ltmp1, $4  }
0xf: {  	[hbm4b:s5+s2] =	stream.linear.scatter [tilespmem:s14], [sflag:$0x3], $0x2000, $0x38;
	[tilespmem:$0x7900] =	vst v63  }
0x10: {  	_ =	swait.ge [sflag:s9], $0x2000  }
0x11: {  	[sflag:s9] =	ssyncset.done $0x0  }
0x12: {  	[sflag:s9] =	ssyncadd.s32 $0xFFFFE000  }
.LBB2_1:
0x13: {  	[tilespmem:s2], [sflag:$0x3] =	stream.strided.gather [hbm4b:s4+s7], $0x1900, s8, s7, $0x38;
	[tilespmem:$0x7900] =	vst v63  }
0x14: {  	_ =	swait.ge [sflag:s9], $0x1900  }
0x15: {  	[sflag:s9] =	ssyncset.done $0x0  }
0x16: {  	s17 =	simm.s32 $0x100;
	s16 =	simm.s32 $0x0;
	[sflag:s9] =	ssyncadd.s32 $0xFFFFE700  }
.LBB2_2:
0x17: {  	p0 =	sne.s32 s17, $0x7F00;
	[tilespmem:s16+$0x5930] =	vst v0;
	s18 =	smov.u32 s17;
	s17 =	sadd.s32 $0x100, s17  }
.Ltmp2:
0x18: {  	[tilespmem:s16+$0x5920] =	vst v0;
	(pc) =	sbr.rel @p0 .LBB2_2-.Ltmp2, $3  }
0x19: {  	[tilespmem:s16+$0x5900] =	vst v0  }
0x1a: {  	[tilespmem:s16+$0x5910] =	vst v0;
	_ =	sdelay $0x1  }
0x1b: {  	s16 =	sshra.s32 s18, $0x2  }
0x1c: {  	[tilespmem:s16+$0x5930] =	vst v0  }
0x1d: {  	[tilespmem:s16+$0x5920] =	vst v0  }
0x1e: {  	[tilespmem:s16+$0x5900] =	vst v0  }
0x1f: {  	[tilespmem:s16+$0x5910] =	vst v0;
	s16 =	simm.s32 $0x0  }
0x20: {  	[tilespmem:s10], [sflag:$0x1] =	stream.indirect.gather [hbm4b:s3+s7], $0x40, s16, s7, $0xb8;
	[tilespmem:$0x7900] =	vst v63  }
0x21: {  	_ = 	snop  }
0x22: {  	[tilespmem:s11], [sflag:$0x2] =	stream.indirect.gather [hbm4b:s3+s7], $0x40, s7, s7, $0xb8;
	[tilespmem:$0x7900] =	vst v63  }
.LBB2_4:
0x23: {  	_ =	swait.ge [sflag:s12], $0x2000  }
0x24: {  	[sflag:s12] =	ssyncset.done $0x0  }
0x25: {  	s17 =	simm.s32 $0x0;
	[sflag:s12] =	ssyncadd.s32 $0xFFFFE000  }
0x26: {  	v2 =	vld [tilespmem:s17+$0x1930]  }
0x27: {  	v3 =	vld [tilespmem:s17+$0x1900]  }
0x28: {  	v4 =	vld [tilespmem:s17+$0x1910]  }
0x29: {  	v1 =	vld [tilespmem:s17+$0x1920];
	_ =	sdelay $0x1  }
0x2a: {  	[tilespmem:s17+$0x5930] =	vst.add.f32.msk $0xffff, v2  }
0x2b: {  	[tilespmem:s17+$0x5900] =	vst.add.f32.msk $0xffff, v3  }
0x2c: {  	s18 =	simm.s32 $0x40;
	s19 =	simm.s32 $0x200;
	[tilespmem:s17+$0x5910] =	vst.add.f32.msk $0xffff, v4  }
.LBB2_5:
0x2d: {  	p0 =	sne.s32 s19, $0x7F00;
	v2 =	vld [tilespmem:s18+$0x1930];
	v3 =	vmov v1  }
0x2e: {  	v4 =	vld [tilespmem:s18+$0x1900]  }
0x2f: {  	v5 =	vld [tilespmem:s18+$0x1910]  }
.Ltmp3:
0x30: {  	v1 =	vld [tilespmem:s18+$0x1920];
	(pc) =	sbr.rel @p0 .LBB2_5-.Ltmp3, $4  }
0x31: {  	[tilespmem:s17+$0x5920] =	vst.add.f32.msk $0xffff, v3;
	s17 =	smov.u32 s18  }
0x32: {  	[tilespmem:s17+$0x5930] =	vst.add.f32.msk $0xffff, v2  }
0x33: {  	[tilespmem:s17+$0x5900] =	vst.add.f32.msk $0xffff, v4  }
0x34: {  	s18 =	sshra.s32 s19, $0x2;
	s19 =	sadd.s32 $0x100, s19;
	[tilespmem:s17+$0x5910] =	vst.add.f32.msk $0xffff, v5  }
0x35: {  	v2 =	vld [tilespmem:s18+$0x1930]  }
0x36: {  	v3 =	vld [tilespmem:s18+$0x1900]  }
0x37: {  	v4 =	vld [tilespmem:s18+$0x1910]  }
0x38: {  	v5 =	vld [tilespmem:s18+$0x1920]  }
0x39: {  	[tilespmem:s17+$0x5920] =	vst.add.f32.msk $0xffff, v1  }
0x3a: {  	p0 =	seq.s32 s16, $0x18;
	[tilespmem:s18+$0x5930] =	vst.add.f32.msk $0xffff, v2  }
0x3b: {  	s17 =	sshll.u32 @!p0 s16, $0x8;
	[tilespmem:s18+$0x5900] =	vst.add.f32.msk $0xffff, v3  }
0x3c: {  	s17 =	sand.u32 @!p0 $0x3FFFFF00, s17;
	[tilespmem:s18+$0x5910] =	vst.add.f32.msk $0xffff, v4  }
0x3d: {  	s19 =	simm.s32 @!p0 $0x1900;
	s17 =	sadd.s32 @!p0 $0x100, s17;
	[tilespmem:s18+$0x5920] =	vst.add.f32.msk $0xffff, v5;
	s18 =	simm.s32 @!p0 $0x80  }
0x3e: {  	[tilespmem:s19], [sflag:$0x1] =	stream.indirect.gather @!p0 [hbm4b:s3+s18], $0x40, s17, s18, $0xb8;
	[tilespmem:$0x7900] =	vst v63  }
0x3f: {  	_ =	swait.ge [sflag:s13], $0x2000  }
0x40: {  	[sflag:s13] =	ssyncset.done $0x0  }
0x41: {  	s17 =	simm.s32 $0x0;
	[sflag:s13] =	ssyncadd.s32 $0xFFFFE000  }
0x42: {  	v2 =	vld [tilespmem:s17+$0x3930]  }
0x43: {  	v3 =	vld [tilespmem:s17+$0x3900]  }
0x44: {  	v63 =	vld [tilespmem:s17+$0x3910]  }
0x45: {  	v1 =	vld [tilespmem:s17+$0x3920];
	_ =	sdelay $0x1  }
0x46: {  	[tilespmem:s17+$0x5930] =	vst.add.f32.msk $0xffff, v2  }
0x47: {  	[tilespmem:s17+$0x5900] =	vst.add.f32.msk $0xffff, v3  }
0x48: {  	s18 =	simm.s32 $0x40;
	s19 =	simm.s32 $0x200;
	[tilespmem:s17+$0x5910] =	vst.add.f32.msk $0xffff, v63  }
.LBB2_7:
0x49: {  	p1 =	sne.s32 s19, $0x7F00;
	v2 =	vld [tilespmem:s18+$0x3930];
	v3 =	vmov v1  }
0x4a: {  	v4 =	vld [tilespmem:s18+$0x3900]  }
0x4b: {  	v5 =	vld [tilespmem:s18+$0x3910]  }
.Ltmp4:
0x4c: {  	v1 =	vld [tilespmem:s18+$0x3920];
	(pc) =	sbr.rel @p1 .LBB2_7-.Ltmp4, $4  }
0x4d: {  	[tilespmem:s17+$0x5920] =	vst.add.f32.msk $0xffff, v3;
	s17 =	smov.u32 s18  }
0x4e: {  	[tilespmem:s17+$0x5930] =	vst.add.f32.msk $0xffff, v2  }
0x4f: {  	[tilespmem:s17+$0x5900] =	vst.add.f32.msk $0xffff, v4  }
0x50: {  	s18 =	sshra.s32 s19, $0x2;
	s19 =	sadd.s32 $0x100, s19;
	[tilespmem:s17+$0x5910] =	vst.add.f32.msk $0xffff, v5  }
0x51: {  	v2 =	vld [tilespmem:s18+$0x3930]  }
0x52: {  	v3 =	vld [tilespmem:s18+$0x3900]  }
0x53: {  	v4 =	vld [tilespmem:s18+$0x3910]  }
0x54: {  	v5 =	vld [tilespmem:s18+$0x3920]  }
.Ltmp5:
0x55: {  	[tilespmem:s17+$0x5920] =	vst.add.f32.msk $0xffff, v1;
	(pc) =	sbr.rel @p0 .LBB2_10-.Ltmp5, $4  }
0x56: {  	[tilespmem:s18+$0x5930] =	vst.add.f32.msk $0xffff, v2  }
0x57: {  	[tilespmem:s18+$0x5900] =	vst.add.f32.msk $0xffff, v3  }
0x58: {  	[tilespmem:s18+$0x5910] =	vst.add.f32.msk $0xffff, v4  }
0x59: {  	[tilespmem:s18+$0x5920] =	vst.add.f32.msk $0xffff, v5  }
.Ltmp6:
0x5a: {  	(pc) =	sbr.rel .LBB2_4-.Ltmp6, $4  }
0x5b: {  	s17 =	sshll.u32 s16, $0x8  }
0x5c: {  	s17 =	sand.u32 $0x3FFFFF00, s17  }
0x5d: {  	s16 =	sadd.s32 $0x1, s16;
	s17 =	sadd.s32 $0x180, s17  }
0x5e: {  	[tilespmem:s11], [sflag:$0x2] =	stream.indirect.gather [hbm4b:s3+s7], $0x40, s17, s7, $0xb8;
	[tilespmem:$0x7900] =	vst v63  }
.LBB2_11:
0x5f: {  	_ =	sfence.sel $0x180000  }
0x60: {  	[bflag:$0x0] =	sbarrier.arrive $0xFFFF  }
0x61: {  	p0 =	sne.s32 s0, $0x0;
	_ =	strace $0x90000047  }
0x62: {  	s0 =	sadd.s32 @!p0 $0x100000, s1;
	[bflag:$0x2] =	sbarrier.arrive $0xFFFF  }
0x63: {  	[sflag:s0] =	ssyncadd.tile.s32 @!p0 $0x1;
	_ =	shalt  }
.Lfunc_end2:
_tile_overlayer_lowered:
.L_overlay_start_2:
0x64: {  	(tag) =	ssettag $0x2  }
0x65: {  	s0 =	rddreg [dreg:$0x0];
	s2 =	stileid.u32  }
0x66: {  	s1 =	rddreg [dreg:$0x1];
	p0 =	sne.s32 s2, $0x0  }
0x67: {  	s3 =	rddreg [dreg:$0x2];
	[bflag:$0x3] =	sbarrier.arrive $0xFFFF;
	s2 =	simm.s32 @!p0 $0x1C03  }
0x68: {  	[timem:s3], [sflag:s2] =	dma.local @!p0 [hbm:s0], s1  }
0x69: {  	s0 =	simm.s32 @!p0 $0x3  }
0x6a: {  	_ =	swait.ge @!p0 [sflag:s0], s1  }
0x6b: {  	s1 =	ssub.s32 @!p0 $0x0, s1;
	[sflag:s0] =	ssyncset.done @!p0 $0x0  }
0x6c: {  	[sflag:s0] =	ssyncadd.s32 @!p0 s1  }
0x6d: {  	[bflag:$0x3] =	sbarrier.arrive $0xFFFF  }
0x6e: {  	_ =	shalt  }

</sc_bundles>
